<compile_context>
chip_gen: v7x
topology: tpu7x:2x2x1
jax: 0.10.2.dev20260603
libtpu: 0.0.44.dev20260713+nightly
codegen_flags: <defaults>
</compile_context>

<pallas_src>
import jax
import jax.numpy as jnp
from jax import lax
from jax.experimental import pallas as pl
from jax.experimental.pallas import tpu as pltpu
from jax.experimental.pallas import tpu_sc as plsc

VOCAB = 1000000
ROWS = 65536
N_CHUNKS = 8
CHUNK = 16
B = 16384

NC = 2
NS = 16
NW = NC * NS
TPW = B // NW
RPW = TPW * N_CHUNKS
RPS = TPW


def _idx_body(x_hbm, h0_hbm, h1_hbm, h2_hbm, i0_hbm, i1_hbm, iw0_hbm,
              iw1_hbm, x_v, xe_v, g0_v, g1_v, g2_v, sem):
    c = lax.axis_index("c")
    s = lax.axis_index("s")
    wid = s * NC + c
    tok_base = wid * TPW

    pltpu.sync_copy(x_hbm.at[pl.ds(tok_base, TPW)], x_v)

    def xe_body(i, _):
        cc = lax.shift_right_logical(i, 5)
        bo = jnp.bitwise_and(i, 31) * 16
        xv = x_v[pl.ds(bo, 16)]
        xe_v[pl.ds(i * 16, 16)] = (
            lax.shift_left(lax.shift_right_logical(xv, 7), 10)
            + cc * 128 + jnp.bitwise_and(xv, 127))
        return 0

    lax.fori_loop(0, RPW // 16, xe_body, 0)

    cp0 = pltpu.async_copy(h0_hbm.at[xe_v], g0_v, sem)
    cp1 = pltpu.async_copy(h1_hbm.at[xe_v], g1_v, sem)
    cp2 = pltpu.async_copy(h2_hbm.at[xe_v], g2_v, sem)
    cp0.wait()
    cp1.wait()
    cp2.wait()

    def idx_body(i, _):
        cc = lax.shift_right_logical(i, 5)
        sl = pl.ds(i * 16, 16)
        g0_v[sl] = g0_v[sl] * N_CHUNKS + cc
        g1_v[sl] = g1_v[sl] * N_CHUNKS + cc
        h2v = g2_v[sl]
        base = (cc * (2 * ROWS)
                + lax.shift_left(lax.shift_right_logical(h2v, 7), 8)
                + jnp.bitwise_and(h2v, 127))
        xe_v[sl] = base
        g2_v[sl] = base + 128
        return 0

    lax.fori_loop(0, RPW // 16, idx_body, 0)

    row_base = pl.ds(wid * RPW, RPW)
    pltpu.sync_copy(g0_v, i0_hbm.at[row_base])
    pltpu.sync_copy(g1_v, i1_hbm.at[row_base])
    pltpu.sync_copy(xe_v, iw0_hbm.at[row_base])
    pltpu.sync_copy(g2_v, iw1_hbm.at[row_base])


def _gather_body(t0_hbm, t1_hbm, w_hbm, i0_hbm, i1_hbm, iw0_hbm, iw1_hbm,
                 out_hbm, g0_v, g1_v, iw0_v, iw1_v, w0_v, w1_v, p0a, p1a,
                 p0b, p1b, out_v, sem, sem_b):
    c = lax.axis_index("c")
    s = lax.axis_index("s")
    wid = s * NC + c
    tok_base = wid * TPW
    row_base = pl.ds(wid * RPW, RPW)

    cis = [pltpu.async_copy(i0_hbm.at[row_base], g0_v, sem),
           pltpu.async_copy(i1_hbm.at[row_base], g1_v, sem),
           pltpu.async_copy(iw0_hbm.at[row_base], iw0_v, sem),
           pltpu.async_copy(iw1_hbm.at[row_base], iw1_v, sem)]
    for ci in cis:
        ci.wait()

    cpw0 = pltpu.async_copy(w_hbm.at[iw0_v], w0_v, sem)
    cpw1 = pltpu.async_copy(w_hbm.at[iw1_v], w1_v, sem)

    bufs = ((p0a, p1a), (p0b, p1b))
    sems = (sem, sem_b)

    def fire(sb):
        bb = sb & 1
        sl = pl.ds(sb * RPS, RPS)
        return (pltpu.async_copy(t0_hbm.at[g0_v.at[sl]], bufs[bb][0],
                                 sems[bb]),
                pltpu.async_copy(t1_hbm.at[g1_v.at[sl]], bufs[bb][1],
                                 sems[bb]))

    cur = fire(0)
    for sb in range(N_CHUNKS):
        nxt = fire(sb + 1) if sb + 1 < N_CHUNKS else None
        if sb == 0:
            cpw0.wait()
            cpw1.wait()
        cur[0].wait()
        cur[1].wait()
        p0_v, p1_v = bufs[sb & 1]

        def row_body(m, _):
            qv = jnp.full((16,), sb * RPS + m, jnp.int32)
            w0 = plsc.load_gather(w0_v, [qv])
            w1 = plsc.load_gather(w1_v, [qv])
            out_v[m, pl.ds(sb * CHUNK, CHUNK)] = (
                p0_v[m, :] * w0 + p1_v[m, :] * w1)
            return 0

        lax.fori_loop(0, RPS, row_body, 0)
        cur = nxt

    pltpu.sync_copy(out_v, out_hbm.at[pl.ds(tok_base, TPW), :])


@jax.jit
def _call_a(x, h0f, h1f, h2f):
    mesh = plsc.VectorSubcoreMesh(core_axis_name="c", subcore_axis_name="s")
    it = jax.ShapeDtypeStruct((B * N_CHUNKS,), jnp.int32)
    run = pl.kernel(
        _idx_body,
        out_type=(it, it, it, it),
        mesh=mesh,
        compiler_params=pltpu.CompilerParams(use_tc_tiling_on_sc=False,
                                             needs_layout_passes=False),
        scratch_types=[
            pltpu.VMEM((TPW,), jnp.int32),
            pltpu.VMEM((RPW,), jnp.int32),
            pltpu.VMEM((RPW,), jnp.int32),
            pltpu.VMEM((RPW,), jnp.int32),
            pltpu.VMEM((RPW,), jnp.int32),
            pltpu.SemaphoreType.DMA,
        ],
    )
    return run(x, h0f, h1f, h2f)


@jax.jit
def _call_b(t0, t1, w, i0, i1, iw0, iw1):
    mesh = plsc.VectorSubcoreMesh(core_axis_name="c", subcore_axis_name="s")
    run = pl.kernel(
        _gather_body,
        out_type=jax.ShapeDtypeStruct((B, N_CHUNKS * CHUNK), jnp.float32),
        mesh=mesh,
        compiler_params=pltpu.CompilerParams(use_tc_tiling_on_sc=False,
                                             needs_layout_passes=False),
        scratch_types=[
            pltpu.VMEM((RPW,), jnp.int32),
            pltpu.VMEM((RPW,), jnp.int32),
            pltpu.VMEM((RPW,), jnp.int32),
            pltpu.VMEM((RPW,), jnp.int32),
            pltpu.VMEM((RPW,), jnp.float32),
            pltpu.VMEM((RPW,), jnp.float32),
            pltpu.VMEM((RPS, CHUNK), jnp.float32),
            pltpu.VMEM((RPS, CHUNK), jnp.float32),
            pltpu.VMEM((RPS, CHUNK), jnp.float32),
            pltpu.VMEM((RPS, CHUNK), jnp.float32),
            pltpu.VMEM((TPW, 128), jnp.float32),
            pltpu.SemaphoreType.DMA,
            pltpu.SemaphoreType.DMA,
        ],
    )
    return run(t0, t1, w, i0, i1, iw0, iw1)


HB = 65536
TILES = (VOCAB + 127) // 128
PTILES = 7816
HPAD = PTILES * 128


def _lin_body(i0_ref, i1_ref, i2_ref, o0_ref, o1_ref, o2_ref):
    for i_ref, o_ref in ((i0_ref, o0_ref), (i1_ref, o1_ref),
                         (i2_ref, o2_ref)):
        o_ref[...] = jnp.transpose(
            i_ref[...].reshape(N_CHUNKS, HB // 128, 128), (1, 0, 2))


def _w_body(w_ref, o_ref):
    t = w_ref[...].reshape(N_CHUNKS, 2, ROWS // 128, 128)
    o_ref[...] = jnp.transpose(t, (0, 2, 1, 3)).reshape(
        N_CHUNKS, ROWS // 64, 128)


def _w_linearize(wp):
    return pl.pallas_call(
        _w_body,
        in_specs=[pl.BlockSpec((N_CHUNKS, 2, ROWS), lambda: (0, 0, 0))],
        out_specs=pl.BlockSpec((N_CHUNKS, ROWS // 64, 128),
                               lambda: (0, 0, 0)),
        out_shape=jax.ShapeDtypeStruct((N_CHUNKS, ROWS // 64, 128),
                                       jnp.float32),
    )(wp)


WT = 4096


def _tab_body(t0_ref, t1_ref, o0_ref, o1_ref):
    o0_ref[...] = jnp.transpose(t0_ref[...].reshape(128, WT))
    o1_ref[...] = jnp.transpose(t1_ref[...].reshape(128, WT))


def _tab_linearize(t0p, t1p):
    spec_i = pl.BlockSpec((N_CHUNKS, CHUNK, WT), lambda rb: (0, 0, rb))
    spec_o = pl.BlockSpec((WT, 128), lambda rb: (rb, 0))
    out_t = jax.ShapeDtypeStruct((ROWS, 128), jnp.float32)
    return pl.pallas_call(
        _tab_body,
        grid=(ROWS // WT,),
        in_specs=[spec_i, spec_i],
        out_specs=[spec_o, spec_o],
        out_shape=[out_t, out_t],
    )(t0p, t1p)


def _linearize(h0t, h1t, h2t):
    spec_i = pl.BlockSpec((N_CHUNKS, HB), lambda xb: (0, xb))
    spec_o = pl.BlockSpec((HB // 128, N_CHUNKS, 128), lambda xb: (xb, 0, 0))
    out_t = jax.ShapeDtypeStruct((PTILES, N_CHUNKS, 128), jnp.int32)
    return pl.pallas_call(
        _lin_body,
        grid=((VOCAB + HB - 1) // HB,),
        in_specs=[spec_i, spec_i, spec_i],
        out_specs=[spec_o, spec_o, spec_o],
        out_shape=[out_t, out_t, out_t],
    )(h0t, h1t, h2t)


def kernel(x, table0, table1, weights, h0, h1, h2):
    t0w, t1w = _tab_linearize(jnp.transpose(table0, (1, 2, 0)),
                              jnp.transpose(table1, (1, 2, 0)))
    t0 = t0w.reshape(ROWS * N_CHUNKS, CHUNK)
    t1 = t1w.reshape(ROWS * N_CHUNKS, CHUNK)
    w = _w_linearize(jnp.transpose(weights, (1, 2, 0))).reshape(
        ROWS * N_CHUNKS * 2)
    h0f, h1f, h2f = (h.reshape(PTILES * N_CHUNKS * 128)
                     for h in _linearize(jnp.transpose(h0), jnp.transpose(h1),
                                         jnp.transpose(h2)))
    i0, i1, iw0, iw1 = _call_a(x, h0f, h1f, h2f)
    return _call_b(t0, t1, w, i0, i1, iw0, iw1)

# --- scband reference (transcript-rebuilt; emitter-appended) ---
"""Pipeline reference for scband-wccembedding-72404558676472 (READ-ONLY COPY).

The authoritative reference and input builder live on the scoring server;
editing this copy changes nothing except your own understanding.
"""

import jax, jax.numpy as jnp
import numpy as np

VOCAB = 1000000
ROWS = 65536
N_CHUNKS = 8
CHUNK = 16
B = 16384


def setup_inputs(seed: int = 0) -> dict:
    key = jax.random.key(seed)
    ks = jax.random.split(key, 8)
    dim = N_CHUNKS * CHUNK
    bound = dim ** (-0.5)
    x = jax.random.randint(ks[0], (B,), 0, VOCAB, dtype=jnp.int32)
    table0 = jax.random.uniform(ks[1], (ROWS, N_CHUNKS, CHUNK), dtype=jnp.float32, minval=-bound, maxval=bound)
    table1 = jax.random.uniform(ks[2], (ROWS, N_CHUNKS, CHUNK), dtype=jnp.float32, minval=-bound, maxval=bound)
    weights = jax.random.uniform(ks[3], (ROWS, N_CHUNKS, 2), dtype=jnp.float32, minval=-1.0, maxval=1.0)
    h0 = jax.random.randint(ks[4], (VOCAB, N_CHUNKS), 0, ROWS, dtype=jnp.int32)
    h1 = jax.random.randint(ks[5], (VOCAB, N_CHUNKS), 0, ROWS, dtype=jnp.int32)
    h2 = jax.random.randint(ks[6], (VOCAB, N_CHUNKS), 0, ROWS, dtype=jnp.int32)
    return {"x": x, "table0": table0, "table1": table1, "weights": weights, "h0": h0, "h1": h1, "h2": h2}


def reference(x, table0, table1, weights, h0, h1, h2):
    # WCCEmbedding.forward: two hashed compressed tables mixed with learned per-chunk weights
    n_chunks = table0.shape[1]
    cols = jnp.arange(n_chunks)
    # h0[x]: [B, n_chunks]; table0[h0[x], cols]: gather per-chunk rows -> [B, n_chunks, chunk_size]
    part0 = table0[h0[x], cols]
    part1 = table1[h1[x], cols]
    ws = weights[h2[x], cols]  # [B, n_chunks, 2]
    out = part0 * ws[..., :1] + part1 * ws[..., 1:]
    return out.reshape(out.shape[0], -1)

if __name__ == "__main__":
    import jax
    _d = setup_inputs()
    print(jax.jit(kernel)(*tuple(_d.values())))

</pallas_src>

<mosaic_0001>
#map = affine_map<(d0, d1) -> (0)>
module attributes {stable_mosaic.version = 14 : i64} {
  func.func @_idx_body(%arg0: i32, %arg1: i32, %arg2: memref<16384xi32, #tpu.memory_space<hbm>>, %arg3: memref<8003584xi32, #tpu.memory_space<hbm>>, %arg4: memref<8003584xi32, #tpu.memory_space<hbm>>, %arg5: memref<8003584xi32, #tpu.memory_space<hbm>>, %arg6: memref<131072xi32, #tpu.memory_space<hbm>>, %arg7: memref<131072xi32, #tpu.memory_space<hbm>>, %arg8: memref<131072xi32, #tpu.memory_space<hbm>>, %arg9: memref<131072xi32, #tpu.memory_space<hbm>>, %arg10: memref<512xi32, #tpu.memory_space<vmem>>, %arg11: memref<4096xi32, #tpu.memory_space<vmem>>, %arg12: memref<4096xi32, #tpu.memory_space<vmem>>, %arg13: memref<4096xi32, #tpu.memory_space<vmem>>, %arg14: memref<4096xi32, #tpu.memory_space<vmem>>, %arg15: memref<!tpu.dma_semaphore, #tpu.memory_space<semaphore_mem>>) attributes {dimension_semantics = [#tpu.dimension_semantics<core_parallel>, #tpu.dimension_semantics<subcore_parallel>], iteration_bounds = array<i64: 2, 16>, scalar_prefetch = 0 : i64, scratch_operands = 6 : i64, tpu.core_type = #tpu.core_type<sc_vector_subcore>, window_params = [{transform_indices = #map}, {transform_indices = #map}, {transform_indices = #map}, {transform_indices = #map}, {transform_indices = #map}, {transform_indices = #map}, {transform_indices = #map}, {transform_indices = #map}]} {
    %mul3A = arith.constant 2 : i32
    %mul3A_0 = arith.muli %arg1, %mul3A : i32
    %add3A = arith.addi %mul3A_0, %arg0 : i32
    %mul3A_1 = arith.constant 512 : i32
    %mul3A_2 = arith.muli %add3A, %mul3A_1 : i32
    "tpu.region"() ({
      %run_scoped3A = tpu.sem_alloc : memref<!tpu.dma_semaphore, #tpu.memory_space<semaphore_mem>>
      %dma_start3A_28 = tpu.memref_slice %arg2[%mul3A_2] : memref<16384xi32, #tpu.memory_space<hbm>> -> memref<512xi32, #tpu.memory_space<hbm>>
      %dma_start3A_29 = tpu.memref_slice %arg2[%mul3A_2] : memref<16384xi32, #tpu.memory_space<hbm>> -> memref<512xi32, #tpu.memory_space<hbm>>
      tpu.enqueue_dma source(%dma_start3A_29 : memref<512xi32, #tpu.memory_space<hbm>>) target(%arg10 : memref<512xi32, #tpu.memory_space<vmem>>) target_semaphore(%run_scoped3A : memref<!tpu.dma_semaphore, #tpu.memory_space<semaphore_mem>>)
      %dma_wait3A_30 = tpu.memref_slice %arg2[%mul3A_2] : memref<16384xi32, #tpu.memory_space<hbm>> -> memref<512xi32, #tpu.memory_space<hbm>>
      %dma_wait3A_31 = tpu.memref_slice %arg2[%mul3A_2] : memref<16384xi32, #tpu.memory_space<hbm>> -> memref<512xi32, #tpu.memory_space<hbm>>
      tpu.wait_dma2 semaphore(%run_scoped3A : memref<!tpu.dma_semaphore, #tpu.memory_space<semaphore_mem>>) src(%dma_wait3A_31 : memref<512xi32, #tpu.memory_space<hbm>>) dst(%arg10 : memref<512xi32, #tpu.memory_space<vmem>>)
      tpu.yield
    }) : () -> ()
    %scan3A = arith.constant 0 : i32
    %scan3A_3 = arith.constant 0 : i32
    %scan3A_4 = arith.constant 256 : i32
    %scan3A_5 = arith.addi %scan3A_3, %scan3A_4 : i32
    %scan3A_6 = arith.constant 1 : i32
    %scan3A_7 = scf.for %scan3A_28 = %scan3A_3 to %scan3A_5 step %scan3A_6 iter_args(%scan3A_29 = %scan3A) -> (i32)  : i32 {
      %shift_right_logical3A = arith.constant 5 : i32
      %shift_right_logical3A_30 = arith.shrui %scan3A_28, %shift_right_logical3A : i32
      %and3A = arith.constant 31 : i32
      %and3A_31 = arith.andi %scan3A_28, %and3A : i32
      %mul3A_32 = arith.constant 16 : i32
      %mul3A_33 = arith.muli %and3A_31, %mul3A_32 : i32
      %get3A = arith.index_cast %mul3A_33 : i32 to index
      %get3A_34 = tpu.vector_load %arg10[%get3A] {strides = array<i32>} : memref<512xi32, #tpu.memory_space<vmem>>, vector<16xi32>,
      %shift_right_logical3A_35 = arith.constant 7 : i32
      %shift_right_logical3A_36 = vector.broadcast %shift_right_logical3A_35 : i32 to vector<16xi32>
      %shift_right_logical3A_37 = arith.shrui %get3A_34, %shift_right_logical3A_36 : vector<16xi32>
      %shift_left3A = arith.constant 10 : i32
      %shift_left3A_38 = vector.broadcast %shift_left3A : i32 to vector<16xi32>
      %shift_left3A_39 = arith.shli %shift_right_logical3A_37, %shift_left3A_38 : vector<16xi32>
      %mul3A_40 = arith.constant 128 : i32
      %mul3A_41 = arith.muli %shift_right_logical3A_30, %mul3A_40 : i32
      %add3A_42 = vector.broadcast %mul3A_41 : i32 to vector<16xi32>
      %add3A_43 = arith.addi %shift_left3A_39, %add3A_42 : vector<16xi32>
      %and3A_44 = arith.constant 127 : i32
      %and3A_45 = vector.broadcast %and3A_44 : i32 to vector<16xi32>
      %and3A_46 = arith.andi %get3A_34, %and3A_45 : vector<16xi32>
      %add3A_47 = arith.addi %add3A_43, %and3A_46 : vector<16xi32>
      %mul3A_48 = arith.constant 16 : i32
      %mul3A_49 = arith.muli %scan3A_28, %mul3A_48 : i32
      %swap3A = arith.index_cast %mul3A_49 : i32 to index
      %swap3A_50 = tpu.vector_load %arg11[%swap3A] {strides = array<i32>} : memref<4096xi32, #tpu.memory_space<vmem>>, vector<16xi32>,
      tpu.vector_store %arg11[%swap3A], %add3A_47 {strides = array<i32>} : memref<4096xi32, #tpu.memory_space<vmem>>, vector<16xi32>,
      %scan3A_51 = arith.constant 0 : i32
      scf.yield %scan3A_51 : i32
    }
    %scan3A_8 = arith.constant 256 : i32
    %dma_start3A = arith.constant 0 : i32
    %dma_start3A_9 = tpu.memref_slice %arg3[%dma_start3A] : memref<8003584xi32, #tpu.memory_space<hbm>> -> memref<8003584xi32, #tpu.memory_space<hbm>>
    tpu.enqueue_indirect_dma source(%dma_start3A_9 : memref<8003584xi32, #tpu.memory_space<hbm>>) target(%arg12 : memref<4096xi32, #tpu.memory_space<vmem>>) offsets(%arg11 : memref<4096xi32, #tpu.memory_space<vmem>>) semaphore(%arg15 : memref<!tpu.dma_semaphore, #tpu.memory_space<semaphore_mem>>)
    %dma_start3A_10 = arith.constant 0 : i32
    %dma_start3A_11 = tpu.memref_slice %arg4[%dma_start3A_10] : memref<8003584xi32, #tpu.memory_space<hbm>> -> memref<8003584xi32, #tpu.memory_space<hbm>>
    tpu.enqueue_indirect_dma source(%dma_start3A_11 : memref<8003584xi32, #tpu.memory_space<hbm>>) target(%arg13 : memref<4096xi32, #tpu.memory_space<vmem>>) offsets(%arg11 : memref<4096xi32, #tpu.memory_space<vmem>>) semaphore(%arg15 : memref<!tpu.dma_semaphore, #tpu.memory_space<semaphore_mem>>)
    %dma_start3A_12 = arith.constant 0 : i32
    %dma_start3A_13 = tpu.memref_slice %arg5[%dma_start3A_12] : memref<8003584xi32, #tpu.memory_space<hbm>> -> memref<8003584xi32, #tpu.memory_space<hbm>>
    tpu.enqueue_indirect_dma source(%dma_start3A_13 : memref<8003584xi32, #tpu.memory_space<hbm>>) target(%arg14 : memref<4096xi32, #tpu.memory_space<vmem>>) offsets(%arg11 : memref<4096xi32, #tpu.memory_space<vmem>>) semaphore(%arg15 : memref<!tpu.dma_semaphore, #tpu.memory_space<semaphore_mem>>)
    %dma_wait3A = arith.constant 0 : i32
    %dma_wait3A_14 = tpu.memref_slice %arg3[%dma_wait3A] : memref<8003584xi32, #tpu.memory_space<hbm>> -> memref<8003584xi32, #tpu.memory_space<hbm>>
    tpu.wait_indirect_dma semaphore(%arg15 : memref<!tpu.dma_semaphore, #tpu.memory_space<semaphore_mem>>) src(%dma_wait3A_14 : memref<8003584xi32, #tpu.memory_space<hbm>>) dst(%arg12 : memref<4096xi32, #tpu.memory_space<vmem>>)
    %dma_wait3A_15 = arith.constant 0 : i32
    %dma_wait3A_16 = tpu.memref_slice %arg4[%dma_wait3A_15] : memref<8003584xi32, #tpu.memory_space<hbm>> -> memref<8003584xi32, #tpu.memory_space<hbm>>
    tpu.wait_indirect_dma semaphore(%arg15 : memref<!tpu.dma_semaphore, #tpu.memory_space<semaphore_mem>>) src(%dma_wait3A_16 : memref<8003584xi32, #tpu.memory_space<hbm>>) dst(%arg13 : memref<4096xi32, #tpu.memory_space<vmem>>)
    %dma_wait3A_17 = arith.constant 0 : i32
    %dma_wait3A_18 = tpu.memref_slice %arg5[%dma_wait3A_17] : memref<8003584xi32, #tpu.memory_space<hbm>> -> memref<8003584xi32, #tpu.memory_space<hbm>>
    tpu.wait_indirect_dma semaphore(%arg15 : memref<!tpu.dma_semaphore, #tpu.memory_space<semaphore_mem>>) src(%dma_wait3A_18 : memref<8003584xi32, #tpu.memory_space<hbm>>) dst(%arg14 : memref<4096xi32, #tpu.memory_space<vmem>>)
    %scan3A_19 = arith.constant 0 : i32
    %scan3A_20 = arith.constant 0 : i32
    %scan3A_21 = arith.constant 256 : i32
    %scan3A_22 = arith.addi %scan3A_20, %scan3A_21 : i32
    %scan3A_23 = arith.constant 1 : i32
    %scan3A_24 = scf.for %scan3A_28 = %scan3A_20 to %scan3A_22 step %scan3A_23 iter_args(%scan3A_29 = %scan3A_19) -> (i32)  : i32 {
      %shift_right_logical3A = arith.constant 5 : i32
      %shift_right_logical3A_30 = arith.shrui %scan3A_28, %shift_right_logical3A : i32
      %mul3A_31 = arith.constant 16 : i32
      %mul3A_32 = arith.muli %scan3A_28, %mul3A_31 : i32
      %get3A = arith.index_cast %mul3A_32 : i32 to index
      %get3A_33 = tpu.vector_load %arg12[%get3A] {strides = array<i32>} : memref<4096xi32, #tpu.memory_space<vmem>>, vector<16xi32>,
      %mul3A_34 = arith.constant 8 : i32
      %mul3A_35 = vector.broadcast %mul3A_34 : i32 to vector<16xi32>
      %mul3A_36 = arith.muli %get3A_33, %mul3A_35 : vector<16xi32>
      %add3A_37 = vector.broadcast %shift_right_logical3A_30 : i32 to vector<16xi32>
      %add3A_38 = arith.addi %mul3A_36, %add3A_37 : vector<16xi32>
      %swap3A = arith.index_cast %mul3A_32 : i32 to index
      %swap3A_39 = tpu.vector_load %arg12[%swap3A] {strides = array<i32>} : memref<4096xi32, #tpu.memory_space<vmem>>, vector<16xi32>,
      tpu.vector_store %arg12[%swap3A], %add3A_38 {strides = array<i32>} : memref<4096xi32, #tpu.memory_space<vmem>>, vector<16xi32>,
      %get3A_40 = arith.index_cast %mul3A_32 : i32 to index
      %get3A_41 = tpu.vector_load %arg13[%get3A_40] {strides = array<i32>} : memref<4096xi32, #tpu.memory_space<vmem>>, vector<16xi32>,
      %mul3A_42 = arith.constant 8 : i32
      %mul3A_43 = vector.broadcast %mul3A_42 : i32 to vector<16xi32>
      %mul3A_44 = arith.muli %get3A_41, %mul3A_43 : vector<16xi32>
      %add3A_45 = vector.broadcast %shift_right_logical3A_30 : i32 to vector<16xi32>
      %add3A_46 = arith.addi %mul3A_44, %add3A_45 : vector<16xi32>
      %swap3A_47 = arith.index_cast %mul3A_32 : i32 to index
      %swap3A_48 = tpu.vector_load %arg13[%swap3A_47] {strides = array<i32>} : memref<4096xi32, #tpu.memory_space<vmem>>, vector<16xi32>,
      tpu.vector_store %arg13[%swap3A_47], %add3A_46 {strides = array<i32>} : memref<4096xi32, #tpu.memory_space<vmem>>, vector<16xi32>,
      %get3A_49 = arith.index_cast %mul3A_32 : i32 to index
      %get3A_50 = tpu.vector_load %arg14[%get3A_49] {strides = array<i32>} : memref<4096xi32, #tpu.memory_space<vmem>>, vector<16xi32>,
      %mul3A_51 = arith.constant 131072 : i32
      %mul3A_52 = arith.muli %shift_right_logical3A_30, %mul3A_51 : i32
      %shift_right_logical3A_53 = arith.constant 7 : i32
      %shift_right_logical3A_54 = vector.broadcast %shift_right_logical3A_53 : i32 to vector<16xi32>
      %shift_right_logical3A_55 = arith.shrui %get3A_50, %shift_right_logical3A_54 : vector<16xi32>
      %shift_left3A = arith.constant 8 : i32
      %shift_left3A_56 = vector.broadcast %shift_left3A : i32 to vector<16xi32>
      %shift_left3A_57 = arith.shli %shift_right_logical3A_55, %shift_left3A_56 : vector<16xi32>
      %add3A_58 = vector.broadcast %mul3A_52 : i32 to vector<16xi32>
      %add3A_59 = arith.addi %add3A_58, %shift_left3A_57 : vector<16xi32>
      %and3A = arith.constant 127 : i32
      %and3A_60 = vector.broadcast %and3A : i32 to vector<16xi32>
      %and3A_61 = arith.andi %get3A_50, %and3A_60 : vector<16xi32>
      %add3A_62 = arith.addi %add3A_59, %and3A_61 : vector<16xi32>
      %swap3A_63 = arith.index_cast %mul3A_32 : i32 to index
      %swap3A_64 = tpu.vector_load %arg11[%swap3A_63] {strides = array<i32>} : memref<4096xi32, #tpu.memory_space<vmem>>, vector<16xi32>,
      tpu.vector_store %arg11[%swap3A_63], %add3A_62 {strides = array<i32>} : memref<4096xi32, #tpu.memory_space<vmem>>, vector<16xi32>,
      %add3A_65 = arith.constant 128 : i32
      %add3A_66 = vector.broadcast %add3A_65 : i32 to vector<16xi32>
      %add3A_67 = arith.addi %add3A_62, %add3A_66 : vector<16xi32>
      %swap3A_68 = arith.index_cast %mul3A_32 : i32 to index
      %swap3A_69 = tpu.vector_load %arg14[%swap3A_68] {strides = array<i32>} : memref<4096xi32, #tpu.memory_space<vmem>>, vector<16xi32>,
      tpu.vector_store %arg14[%swap3A_68], %add3A_67 {strides = array<i32>} : memref<4096xi32, #tpu.memory_space<vmem>>, vector<16xi32>,
      %scan3A_70 = arith.constant 0 : i32
      scf.yield %scan3A_70 : i32
    }
    %scan3A_25 = arith.constant 256 : i32
    %mul3A_26 = arith.constant 4096 : i32
    %mul3A_27 = arith.muli %add3A, %mul3A_26 : i32
    "tpu.region"() ({
      %run_scoped3A = tpu.sem_alloc : memref<!tpu.dma_semaphore, #tpu.memory_space<semaphore_mem>>
      %dma_start3A_28 = tpu.memref_slice %arg6[%mul3A_27] : memref<131072xi32, #tpu.memory_space<hbm>> -> memref<4096xi32, #tpu.memory_space<hbm>>
      %dma_start3A_29 = tpu.memref_slice %arg6[%mul3A_27] : memref<131072xi32, #tpu.memory_space<hbm>> -> memref<4096xi32, #tpu.memory_space<hbm>>
      tpu.enqueue_dma source(%arg12 : memref<4096xi32, #tpu.memory_space<vmem>>) target(%dma_start3A_29 : memref<4096xi32, #tpu.memory_space<hbm>>) target_semaphore(%run_scoped3A : memref<!tpu.dma_semaphore, #tpu.memory_space<semaphore_mem>>)
      %dma_wait3A_30 = tpu.memref_slice %arg6[%mul3A_27] : memref<131072xi32, #tpu.memory_space<hbm>> -> memref<4096xi32, #tpu.memory_space<hbm>>
      %dma_wait3A_31 = tpu.memref_slice %arg6[%mul3A_27] : memref<131072xi32, #tpu.memory_space<hbm>> -> memref<4096xi32, #tpu.memory_space<hbm>>
      tpu.wait_dma2 semaphore(%run_scoped3A : memref<!tpu.dma_semaphore, #tpu.memory_space<semaphore_mem>>) src(%arg12 : memref<4096xi32, #tpu.memory_space<vmem>>) dst(%dma_wait3A_31 : memref<4096xi32, #tpu.memory_space<hbm>>)
      tpu.yield
    }) : () -> ()
    "tpu.region"() ({
      %run_scoped3A = tpu.sem_alloc : memref<!tpu.dma_semaphore, #tpu.memory_space<semaphore_mem>>
      %dma_start3A_28 = tpu.memref_slice %arg7[%mul3A_27] : memref<131072xi32, #tpu.memory_space<hbm>> -> memref<4096xi32, #tpu.memory_space<hbm>>
      %dma_start3A_29 = tpu.memref_slice %arg7[%mul3A_27] : memref<131072xi32, #tpu.memory_space<hbm>> -> memref<4096xi32, #tpu.memory_space<hbm>>
      tpu.enqueue_dma source(%arg13 : memref<4096xi32, #tpu.memory_space<vmem>>) target(%dma_start3A_29 : memref<4096xi32, #tpu.memory_space<hbm>>) target_semaphore(%run_scoped3A : memref<!tpu.dma_semaphore, #tpu.memory_space<semaphore_mem>>)
      %dma_wait3A_30 = tpu.memref_slice %arg7[%mul3A_27] : memref<131072xi32, #tpu.memory_space<hbm>> -> memref<4096xi32, #tpu.memory_space<hbm>>
      %dma_wait3A_31 = tpu.memref_slice %arg7[%mul3A_27] : memref<131072xi32, #tpu.memory_space<hbm>> -> memref<4096xi32, #tpu.memory_space<hbm>>
      tpu.wait_dma2 semaphore(%run_scoped3A : memref<!tpu.dma_semaphore, #tpu.memory_space<semaphore_mem>>) src(%arg13 : memref<4096xi32, #tpu.memory_space<vmem>>) dst(%dma_wait3A_31 : memref<4096xi32, #tpu.memory_space<hbm>>)
      tpu.yield
    }) : () -> ()
    "tpu.region"() ({
      %run_scoped3A = tpu.sem_alloc : memref<!tpu.dma_semaphore, #tpu.memory_space<semaphore_mem>>
      %dma_start3A_28 = tpu.memref_slice %arg8[%mul3A_27] : memref<131072xi32, #tpu.memory_space<hbm>> -> memref<4096xi32, #tpu.memory_space<hbm>>
      %dma_start3A_29 = tpu.memref_slice %arg8[%mul3A_27] : memref<131072xi32, #tpu.memory_space<hbm>> -> memref<4096xi32, #tpu.memory_space<hbm>>
      tpu.enqueue_dma source(%arg11 : memref<4096xi32, #tpu.memory_space<vmem>>) target(%dma_start3A_29 : memref<4096xi32, #tpu.memory_space<hbm>>) target_semaphore(%run_scoped3A : memref<!tpu.dma_semaphore, #tpu.memory_space<semaphore_mem>>)
      %dma_wait3A_30 = tpu.memref_slice %arg8[%mul3A_27] : memref<131072xi32, #tpu.memory_space<hbm>> -> memref<4096xi32, #tpu.memory_space<hbm>>
      %dma_wait3A_31 = tpu.memref_slice %arg8[%mul3A_27] : memref<131072xi32, #tpu.memory_space<hbm>> -> memref<4096xi32, #tpu.memory_space<hbm>>
      tpu.wait_dma2 semaphore(%run_scoped3A : memref<!tpu.dma_semaphore, #tpu.memory_space<semaphore_mem>>) src(%arg11 : memref<4096xi32, #tpu.memory_space<vmem>>) dst(%dma_wait3A_31 : memref<4096xi32, #tpu.memory_space<hbm>>)
      tpu.yield
    }) : () -> ()
    "tpu.region"() ({
      %run_scoped3A = tpu.sem_alloc : memref<!tpu.dma_semaphore, #tpu.memory_space<semaphore_mem>>
      %dma_start3A_28 = tpu.memref_slice %arg9[%mul3A_27] : memref<131072xi32, #tpu.memory_space<hbm>> -> memref<4096xi32, #tpu.memory_space<hbm>>
      %dma_start3A_29 = tpu.memref_slice %arg9[%mul3A_27] : memref<131072xi32, #tpu.memory_space<hbm>> -> memref<4096xi32, #tpu.memory_space<hbm>>
      tpu.enqueue_dma source(%arg14 : memref<4096xi32, #tpu.memory_space<vmem>>) target(%dma_start3A_29 : memref<4096xi32, #tpu.memory_space<hbm>>) target_semaphore(%run_scoped3A : memref<!tpu.dma_semaphore, #tpu.memory_space<semaphore_mem>>)
      %dma_wait3A_30 = tpu.memref_slice %arg9[%mul3A_27] : memref<131072xi32, #tpu.memory_space<hbm>> -> memref<4096xi32, #tpu.memory_space<hbm>>
      %dma_wait3A_31 = tpu.memref_slice %arg9[%mul3A_27] : memref<131072xi32, #tpu.memory_space<hbm>> -> memref<4096xi32, #tpu.memory_space<hbm>>
      tpu.wait_dma2 semaphore(%run_scoped3A : memref<!tpu.dma_semaphore, #tpu.memory_space<semaphore_mem>>) src(%arg14 : memref<4096xi32, #tpu.memory_space<vmem>>) dst(%dma_wait3A_31 : memref<4096xi32, #tpu.memory_space<hbm>>)
      tpu.yield
    }) : () -> ()
    return
  }
}

</mosaic_0001>

<sc_bundles>
// kernel: _call_a.3.cloned.1.call-start
scs
__scs_entry_jumppad:
0x0: {  	(pc) =	sbr.rel $0x88, $3  }
0x1: {  	(tag) =	ssettag $0x0;
	lr =	simm.s32 $0x1  }
0x2: {  	[smem:$0x3F9D] =	sst lr;
	_ =	strace $0xD0000000  }
0x3: {  	_ = 	snop  }
0x4: {  	_ = 	snop  }
0x5: {  	_ = 	snop  }
0x6: {  	_ = 	snop  }
0x7: {  	_ = 	snop  }
__scs_overlays_trampoline_lowered:
0x8: {  	[smem:$0x3FAC] =	sst s0  }
0x9: {  	[smem:$0x3FAD] =	sst s1  }
0xa: {  	[smem:$0x3FAE] =	sst s2  }
0xb: {  	[smem:$0x3FAF] =	sst s3  }
0xc: {  	[smem:$0x3FB0] =	sst s4  }
0xd: {  	[smem:$0x3FB1] =	sst s5  }
0xe: {  	[smem:$0x3FB2] =	sst s6  }
0xf: {  	[smem:$0x3FB3] =	sst s7  }
0x10: {  	[smem:$0x3FB4] =	sst s8  }
0x11: {  	[smem:$0x3FB5] =	sst s9;
	s0 =	simm.s32 @!p0 $0x0  }
0x12: {  	s1 =	sld [smem:$0x3F9B];
	s0 =	simm.s32 @p0 $0x1  }
0x13: {  	[smem:$0x3FB6] =	sst s0;
	s0 =	simm.s32 @!p1 $0x0  }
0x14: {  	s2 =	sld [smem:$0x3F9A];
	s0 =	simm.s32 @p1 $0x1  }
0x15: {  	[smem:$0x3FB7] =	sst s0;
	s0 =	simm.s32 @!p2 $0x0  }
0x16: {  	s3 =	sld [smem:$0x3FDB];
	s0 =	simm.s32 @p2 $0x1  }
0x17: {  	s4 =	simm.s32 $0x1BF5;
	[smem:$0x3FB9] =	sst s0  }
0x18: {  	s0 =	sld [smem:$0x3F9C];
	_ =	swait.ge [sflag:s4], $0x0  }
0x19: {  	s7 =	sld [smem:$0x3F9D]  }
0x1a: {  	s8 =	sadd.s32 $0xFFFFE003, lr  }
0x1b: {  	s9 =	sadd.s32 $0xFFFFFEF7, lr;
	s5 =	simm.s32 $0xFFFFFFFF;
	p2 =	slt.u32 s8, $0xFFFFF086  }
0x1c: {  	p1 =	slt.u32 s9, $0xF7A;
	s5 =	simm.s32 @!p2 $0x0  }
0x1d: {  	s5 =	simm.s32 @p1 $0x1;
	p0 =	seq.s32 s7, s2  }
0x1e: {  	s7 =	smul.u32 @!p0 $0xF7A, s2;
	p2 =	seq.s32 @!p0 s5, $0x0  }
0x1f: {  	s9 =	smul.u32 $0xF7A, s1;
	s8 =	simm.s32 @!p0 $0x1BF5;
	p2 =	por !p2, p0  }
0x20: {  	[sflag:s8] =	ssyncset.s32 @!p0 $0xFFFFF086;
	s6 =	sadd.s32 @!p0 s3, s7;
	s7 =	simm.s32 @!p0 $0x108  }
0x21: {  	s3 =	sadd.s32 s3, s9;
	s6 =	sadd.s32 @!p0 $0x88, s6;
	s7 =	simm.s32 @p2 $0x1082  }
0x22: {  	[simem:s7], [sflag:s8] =	dma.local @!p0 [hbm:s6], $0xF7A  }
0x23: {  	s9 =	sor.u32 $0xD0000000, s2;
	s6 =	simm.s32 $0x108;
	_ =	swait.ge @!p0 [sflag:s8], $0x0  }
0x24: {  	s3 =	sadd.s32 $0x88, s3;
	s6 =	simm.s32 @!p1 $0x1082;
	[sflag:s4] =	ssyncset.s32 $0xFFFFF086  }
0x25: {  	[simem:s6], [sflag:s4] =	dma.local [hbm:s3], $0xF7A  }
0x26: {  	[smem:$0x3F9D] =	sst s1;
	(tag) =	ssettag s2;
	_ =	strace s9  }
0x27: {  	s1 =	sld [smem:$0x3FAD]  }
0x28: {  	s2 =	sld [smem:$0x3FAE]  }
0x29: {  	s4 =	sld [smem:$0x3FB0]  }
0x2a: {  	p0 =	seq.s32 s5, $0x0;
	s5 =	sld [smem:$0x3FB1]  }
0x2b: {  	s6 =	sld [smem:$0x3FB2]  }
0x2c: {  	s7 =	sld [smem:$0x3FB3]  }
0x2d: {  	s3 =	simm.s32 $0x108;
	s8 =	sld [smem:$0x3FB4]  }
0x2e: {  	s3 =	simm.s32 @!p0 $0x1082;
	s9 =	sld [smem:$0x3FB5]  }
0x2f: {  	lr =	sadd.s32 s0, s3;
	s0 =	sld [smem:$0x3FAC]  }
0x30: {  	s3 =	sld [smem:$0x3FAF]  }
0x31: {  	[smem:$0x3FB8] =	sst s10  }
0x32: {  	s10 =	sld [smem:$0x3FB6];
	_ =	sdelay $0x3  }
0x33: {  	p0 =	seq.s32 s10, $0x1;
	s10 =	sld [smem:$0x3FB8];
	_ =	sdelay $0x3  }
0x34: {  	[smem:$0x3FB8] =	sst s10  }
0x35: {  	s10 =	sld [smem:$0x3FB7];
	_ =	sdelay $0x3  }
0x36: {  	p1 =	seq.s32 s10, $0x1;
	s10 =	sld [smem:$0x3FB8];
	_ =	sdelay $0x3  }
0x37: {  	[smem:$0x3FB8] =	sst s10  }
0x38: {  	s10 =	sld [smem:$0x3FB9]  }
0x39: {  	_ = 	snop;
	(pc) =	sbr.ind lr, $3  }
0x3a: {  	_ = 	snop  }
0x3b: {  	_ = 	snop  }
0x3c: {  	p2 =	seq.s32 s10, $0x1;
	s10 =	sld [smem:$0x3FB8]  }
0x3d: {  	_ =	shalt  }
0x3e: {  	_ =	shalt  }
0x3f: {  	_ =	shalt  }
0x40: {  	_ =	shalt  }
0x41: {  	_ =	shalt  }
0x42: {  	_ =	shalt  }
0x43: {  	_ =	shalt  }
0x44: {  	_ =	shalt  }
0x45: {  	_ =	shalt  }
0x46: {  	_ =	shalt  }
0x47: {  	_ =	shalt  }
0x48: {  	_ =	shalt  }
0x49: {  	_ =	shalt  }
0x4a: {  	_ =	shalt  }
0x4b: {  	_ =	shalt  }
0x4c: {  	_ =	shalt  }
0x4d: {  	_ =	shalt  }
0x4e: {  	_ =	shalt  }
0x4f: {  	_ =	shalt  }
0x50: {  	_ =	shalt  }
0x51: {  	_ =	shalt  }
0x52: {  	_ =	shalt  }
0x53: {  	_ =	shalt  }
0x54: {  	_ =	shalt  }
0x55: {  	_ =	shalt  }
0x56: {  	_ =	shalt  }
0x57: {  	_ =	shalt  }
0x58: {  	_ =	shalt  }
0x59: {  	_ =	shalt  }
0x5a: {  	_ =	shalt  }
0x5b: {  	_ =	shalt  }
0x5c: {  	_ =	shalt  }
0x5d: {  	_ =	shalt  }
0x5e: {  	_ =	shalt  }
0x5f: {  	_ =	shalt  }
0x60: {  	_ =	shalt  }
0x61: {  	_ =	shalt  }
0x62: {  	_ =	shalt  }
0x63: {  	_ =	shalt  }
0x64: {  	_ =	shalt  }
0x65: {  	_ =	shalt  }
0x66: {  	_ =	shalt  }
0x67: {  	_ =	shalt  }
0x68: {  	_ =	shalt  }
0x69: {  	_ =	shalt  }
0x6a: {  	_ =	shalt  }
0x6b: {  	_ =	shalt  }
0x6c: {  	_ =	shalt  }
0x6d: {  	_ =	shalt  }
0x6e: {  	_ =	shalt  }
0x6f: {  	_ =	shalt  }
0x70: {  	_ =	shalt  }
0x71: {  	_ =	shalt  }
0x72: {  	_ =	shalt  }
0x73: {  	_ =	shalt  }
0x74: {  	_ =	shalt  }
0x75: {  	_ =	shalt  }
0x76: {  	_ =	shalt  }
0x77: {  	_ =	shalt  }
0x78: {  	_ =	shalt  }
0x79: {  	_ =	shalt  }
0x7a: {  	_ =	shalt  }
0x7b: {  	_ =	shalt  }
0x7c: {  	_ =	shalt  }
0x7d: {  	_ =	shalt  }
0x7e: {  	_ =	shalt  }
0x7f: {  	_ =	shalt  }
0x80: {  	_ =	shalt  }
0x81: {  	_ =	shalt  }
0x82: {  	_ =	shalt  }
0x83: {  	_ =	shalt  }
0x84: {  	_ =	shalt  }
0x85: {  	_ =	shalt  }
0x86: {  	_ =	shalt  }
0x87: {  	_ =	shalt  }
.Lfunc_end0:
.L_simem_size_0:
called_computation_lowered:
.L_overlay_start_0:
0x88: {  	s2 =	sld [smem:$0x3FD9]  }
0x89: {  	s3 =	sld [smem:$0x3FFE];
	_ =	sdelay $0x1  }
0x8a: {  	s1 =	srdreg.scid  }
0x8b: {  	s0 =	sand.u32 $0x1, s1  }
0x8c: {  	s15 =	sshll.u32 s0, $0xA;
	s2 =	sadd.s32 s3, s2  }
0x8d: {  	s2 =	sadd.s32 s2, s15  }
0x8e: {  	[smem:$0x3FC4] =	sst s2  }
0x8f: {  	_ = 	snop  }
0x90: {  	s2 =	sld [smem:$0x3FC9]  }
0x91: {  	s16 =	sld [smem:$0x3FD0]  }
0x92: {  	s4 =	sld [smem:$0x3FC8]  }
0x93: {  	s5 =	sld [smem:$0x3FC7]  }
0x94: {  	s7 =	simm.s32 $0xA;
	s8 =	simm.s32 $0x10;
	s6 =	sld [smem:$0x3FC6]  }
0x95: {  	[smem:s8], [sflag:s7] =	dma.local [hbm:s16], $0x1  }
0x96: {  	_ =	swait.eq [sflag:s7], $0x1  }
0x97: {  	s17 =	sld [smem:$0x10]  }
0x98: {  	s18 =	sld [smem:$0x11];
	[sflag:s7] =	ssyncset.done $0x0  }
0x99: {  	s9 =	sld [smem:$0x12];
	[sflag:s7] =	ssyncadd.s32 $0xFFFFFFFF  }
0x9a: {  	s19 =	sld [smem:$0x13];
	(tm) =	ssettm $0x1  }
0x9b: {  	s10 =	sld [smem:$0x3FFB];
	_ =	sdelay $0x3  }
0x9c: {  	_ =	strace s10  }
0x9d: {  	s10 =	sld [smem:$0x3FFC];
	_ =	sdelay $0x3  }
0x9e: {  	_ =	strace s10  }
0x9f: {  	s10 =	sld [smem:$0x3FFD];
	_ =	sdelay $0x3  }
0xa0: {  	_ =	strace s10  }
0xa1: {  	_ =	strace $0x8FFFFFFF  }
0xa2: {  	s20 =	sld [smem:$0x3FDB];
	_ =	sdelay $0x1  }
0xa3: {  	s11 =	simm.s32 $_scs_section_size  }
0xa4: {  	s12 =	simm.s32 $_size__tile_overlayer_lowered;
	s13 =	simm.s32 $_tile_overlayer_lowered  }
0xa5: {  	s23 =	simm.s32 $0x1BFF;
	s22 =	sshll.u32 s13, $0x1;
	s10 =	sadd.s32 s11, s20  }
0xa6: {  	s14 =	simm.s32 $0x0;
	s21 =	sshll.u32 s12, $0x1;
	s12 =	sadd.s32 s22, s10  }
0xa7: {  	[timem:s14], [sflag:s23] =	dma.local [hbm:s12], s21  }
0xa8: {  	_ =	swait.ge [sflag:s23], s21  }
0xa9: {  	s11 =	ssub.s32 $0x0, s21;
	[sflag:s23] =	ssyncset.done $0x0  }
0xaa: {  	[sflag:s23] =	ssyncadd.s32 s11;
	_ =	sdelay $0x1  }
0xab: {  	s24 =	simm.s32 $0x1B8B  }
0xac: {  	_ =	swait.ge [sflag:s24], $0x1  }
0xad: {  	[sflag:s24] =	ssyncset.done $0x0  }
0xae: {  	s25 =	simm.s32 $0x1B8E;
	[sflag:s24] =	ssyncadd.s32 $0xFFFFFFFF  }
0xaf: {  	s26 =	simm.s32 $execute0_lowered;
	[smem:$0x3FD2] =	sst s25  }
0xb0: {  	s11 =	sshll.u32 s26, $0x1;
	_ =	strace $0x80000046;
	[dreg:$0x1] =	wrdreg $0xFFFFFFFF  }
0xb1: {  	s28 =	simm.s32 $_size_execute0_lowered;
	s10 =	sadd.s32 s10, s11;
	[dreg:$0x0] =	wrdreg $0x0  }
0xb2: {  	s11 =	sshll.u32 s28, $0x1;
	[dreg:$0x2] =	wrdreg s10  }
0xb3: {  	[dreg:$0x3] =	wrdreg s11  }
0xb4: {  	[dreg:$0x4] =	wrdreg $0xC0  }
0xb5: {  	_ =	task [dreg:s14], $0x5FFFF  }
0xb6: {  	[dreg:$0x1] =	wrdreg $0xFFFFFFFF  }
0xb7: {  	[dreg:$0x0] =	wrdreg $0x60  }
0xb8: {  	[dreg:$0x2] =	wrdreg s2  }
0xb9: {  	[dreg:$0x3] =	wrdreg s4  }
0xba: {  	[dreg:$0x4] =	wrdreg s5  }
0xbb: {  	[dreg:$0x5] =	wrdreg s6  }
0xbc: {  	[dreg:$0x6] =	wrdreg s17  }
0xbd: {  	[dreg:$0x7] =	wrdreg s18  }
0xbe: {  	[dreg:$0x8] =	wrdreg s9  }
0xbf: {  	[dreg:$0x9] =	wrdreg s19  }
0xc0: {  	[dreg:$0xa] =	wrdreg $0x9  }
0xc1: {  	_ =	task.clear_ibuf [dreg:s14], $0xBFFFF;
	_ =	strace $0x90000046  }
0xc2: {  	s29 =	simm.s32 $0x9;
	_ =	strace $0x80000048  }
0xc3: {  	_ =	swait.ge [sflag:s29], $0x1  }
0xc4: {  	[sflag:s29] =	ssyncadd.s32 $0xFFFFFFFF  }
0xc5: {  	_ =	strace $0x90000048  }
0xc6: {  	_ =	sfence  }
0xc7: {  	s30 =	sld [smem:$0x0];
	_ =	sdelay $0x2  }
0xc8: {  	s31 =	sshll.u32 s1, $0xD;
	s1 =	sshrl.u32 s1, $0x2  }
0xc9: {  	s3 =	sand.u32 $0x4000, s31;
	s1 =	sadd.s32 s1, s30  }
0xca: {  	s0 =	sor.u32 s3, s0;
	s1 =	sshll.u32 s1, $0x11  }
0xcb: {  	s0 =	sor.u32 s1, s0  }
0xcc: {  	s0 =	sadd.s32 $0x8F2B, s0  }
0xcd: {  	[sflag:s0] =	ssyncadd.remote.s32 $0x1  }
0xce: {  	_ =	sfence.sel $0xFFFF  }
0xcf: {  	[dreg:$0x0] =	wrdreg $0xFFFFFFFF;
	(pc) =	sbr.abs _section_cstart, $3  }
0xd0: {  	[dreg:$0x1] =	wrdreg $0xFFFFFFFF  }
0xd1: {  	_ =	task.clear_ibuf [dreg:s14], $0x2FFFF;
	_ =	strace $0x9FFFFFFF  }
0xd2: {  	(tm) =	ssettm $0x7FFFFFFF  }
0xd3: {  	_ =	shalt  }
tec
execute0_lowered:
.L_overlay_start_1:
0x0: {  	(tag) =	ssettag $0x1  }
0x1: {  	s6 =	rddreg [dreg:$0x0]  }
0x2: {  	s0 =	rddreg [dreg:$0x1]  }
0x3: {  	s2 =	rddreg [dreg:$0x2]  }
0x4: {  	s3 =	rddreg [dreg:$0x3]  }
0x5: {  	s7 =	rddreg [dreg:$0x4]  }
0x6: {  	s8 =	rddreg [dreg:$0x5]  }
0x7: {  	s9 =	rddreg [dreg:$0x6]  }
0x8: {  	s10 =	rddreg [dreg:$0x7]  }
0x9: {  	s1 =	rddreg [dreg:$0x8]  }
0xa: {  	s5 =	simm.s32 $0x0;
	s11 =	srdreg.scid;
	s4 =	stileid.u32  }
0xb: {  	s15 =	simm.s32 $0x1200;
	s16 =	simm.s32 $0x2200;
	s17 =	simm.s32 $0x200  }
0xc: {  	s18 =	simm.s32 $0x3200;
	s19 =	simm.s32 $0x0;
	s11 =	sand.u32 $0x1, s11  }
0xd: {  	[smem:$0x7FF] =	sst s5;
	s12 =	sshll.u32 s4, $0x1;
	s13 =	ssub.s32 $0x2, s11  }
0xe: {  	_ =	strace $0x80000047;
	s11 =	sor.u32 s11, s12;
	s31 =	sshrl.u32 s13, $0x1  }
0xf: {  	s14 =	sshll.u32 s11, $0x6;
	s11 =	sshll.u32 s11, $0x9;
	s12 =	ssub.s32 s13, s31  }
0x10: {  	s6 =	sadd.s32 s6, s14;
	s7 =	sadd.s32 s7, s11;
	s8 =	sadd.s32 s8, s11  }
0x11: {  	s9 =	sadd.s32 s9, s11;
	s10 =	sadd.s32 s10, s11;
	s13 =	simm.s32 $0x1000  }
0x12: {  	s14 =	simm.s32 $0x1;
	s11 =	smax.u32 s12, $0x1;
	s12 =	simm.s32 $0x2  }
.LBB2_1:
0x13: {  	[tilespmem:s5], [sflag:$0x2] =	stream.linear.gather [hbm4b:s6+s5], $0x200, $0x38;
	[tilespmem:$0x4200] =	vst v63  }
0x14: {  	_ =	swait.ge [sflag:s12], $0x200  }
0x15: {  	[sflag:s12] =	ssyncset.done $0x0  }
0x16: {  	s20 =	sand.u32 $0x1F0, s5;
	[sflag:s12] =	ssyncadd.s32 $0xFFFFFE00  }
0x17: {  	v0 =	vld [tilespmem:s20+$0x0];
	_ =	sdelay $0x4  }
0x18: {  	s31 =	sand.u32 $0x380, s5;
	v1 =	vshll.u32 v0, $0x3;
	v0 =	vand.u32 $0x7F, v0  }
0x19: {  	v1 =	vand.u32 $0xFFFFFC00, v1;
	v0 =	vor.u32 s31, v0  }
0x1a: {  	s21 =	simm.s32 $0x10;
	s22 =	simm.s32 $0x20;
	v0 =	vor.u32 v1, v0  }
0x1b: {  	s23 =	sand.u32 $0x1F0, s21;
	s21 =	simm.s32 $0x0;
	s20 =	simm.s32 $0x200;
	[tilespmem:s17+$0x0] =	vst v0  }
.LBB2_2:
0x1c: {  	p0 =	sne.s32 s22, $0xFF0;
	v0 =	vld [tilespmem:s23+$0x0];
	_ =	sdelay $0x3  }
.Ltmp0:
0x1d: {  	s21 =	sadd.s32 $0x4, s21;
	(pc) =	sbr.rel @p0 .LBB2_2-.Ltmp0, $4  }
0x1e: {  	s23 =	sand.u32 $0x380, s21;
	v1 =	vshll.u32 v0, $0x3;
	v0 =	vand.u32 $0x7F, v0  }
0x1f: {  	v1 =	vand.u32 $0xFFFFFC00, v1;
	v0 =	vor.u32 s23, v0  }
0x20: {  	s20 =	sadd.s32 $0x10, s20;
	v0 =	vor.u32 v1, v0  }
0x21: {  	s23 =	sand.u32 $0x1F0, s22;
	s22 =	sadd.s32 $0x10, s22;
	[tilespmem:s20+$0x0] =	vst v0  }
0x22: {  	v0 =	vld [tilespmem:s23+$0x0];
	_ =	sdelay $0x3  }
0x23: {  	s21 =	sadd.s32 $0x4, s21  }
0x24: {  	s21 =	sand.u32 $0x380, s21;
	v1 =	vshll.u32 v0, $0x3;
	v0 =	vand.u32 $0x7F, v0  }
0x25: {  	v1 =	vand.u32 $0xFFFFFC00, v1;
	v0 =	vor.u32 s21, v0  }
0x26: {  	s20 =	sadd.s32 $0x10, s20;
	v0 =	vor.u32 v1, v0  }
0x27: {  	s24 =	simm.s32 $0x200;
	[tilespmem:s20+$0x0] =	vst v0;
	s20 =	simm.s32 $0x1200  }
0x28: {  	[tilespmem:s20], [sflag:$0x1] =	stream.indirect.gather [hbm4b:s0+s13], $0x1, s24, s13, $0xb8;
	[tilespmem:$0x4200] =	vst v63  }
0x29: {  	s21 =	simm.s32 $0x2200  }
0x2a: {  	[tilespmem:s21], [sflag:$0x1] =	stream.indirect.gather [hbm4b:s2+s13], $0x1, s24, s13, $0xb8;
	[tilespmem:$0x4200] =	vst v63  }
0x2b: {  	s22 =	simm.s32 $0x3200  }
0x2c: {  	[tilespmem:s22], [sflag:$0x1] =	stream.indirect.gather [hbm4b:s3+s13], $0x1, s24, s13, $0xb8;
	[tilespmem:$0x4200] =	vst v63  }
0x2d: {  	_ =	swait.ge [sflag:s14], $0x1000  }
0x2e: {  	[sflag:s14] =	ssyncset.done $0x0  }
0x2f: {  	[sflag:s14] =	ssyncadd.s32 $0xFFFFF000  }
0x30: {  	_ =	swait.ge [sflag:s14], $0x1000  }
0x31: {  	[sflag:s14] =	ssyncset.done $0x0  }
0x32: {  	[sflag:s14] =	ssyncadd.s32 $0xFFFFF000  }
0x33: {  	_ =	swait.ge [sflag:s14], $0x1000  }
0x34: {  	[sflag:s14] =	ssyncset.done $0x0  }
0x35: {  	[sflag:s14] =	ssyncadd.s32 $0xFFFFF000  }
0x36: {  	v0 =	vld [tilespmem:s20+$0x0];
	_ =	sdelay $0x4  }
0x37: {  	s30 =	simm.s32 $0x0;
	v0 =	vshll.u32 v0, $0x3  }
0x38: {  	v0 =	vadd.s32 s30, v0  }
0x39: {  	[tilespmem:s20+$0x0] =	vst v0  }
0x3a: {  	v0 =	vld [tilespmem:s21+$0x0];
	_ =	sdelay $0x4  }
0x3b: {  	v0 =	vshll.u32 v0, $0x3  }
0x3c: {  	v0 =	vadd.s32 s30, v0  }
0x3d: {  	[tilespmem:s21+$0x0] =	vst v0  }
0x3e: {  	v0 =	vld [tilespmem:s22+$0x0];
	_ =	sdelay $0x4  }
0x3f: {  	v1 =	vshll.u32 v0, $0x1  }
0x40: {  	s31 =	simm.s32 $0x0;
	v1 =	vand.u32 $0xFFFFFF00, v1  }
0x41: {  	v0 =	vand.u32 $0x7F, v0;
	v1 =	vadd.s32 s31, v1  }
0x42: {  	v0 =	vor.u32 v0, v1  }
0x43: {  	s23 =	simm.s32 $0x1;
	[tilespmem:s24+$0x0] =	vst v0;
	v0 =	vor.u32 $0x80, v0;
	s24 =	simm.s32 $0x210  }
.LBB2_4:
0x44: {  	[tilespmem:s22+$0x0] =	vst v0;
	s20 =	sadd.s32 $0x10, s20;
	s21 =	sadd.s32 $0x10, s21;
	s22 =	sadd.s32 $0x10, s22  }
0x45: {  	p0 =	sne.s32 s23, $0xFF;
	s25 =	smov.u32 s23;
	s23 =	sadd.s32 $0x1, s23;
	v0 =	vld [tilespmem:s20+$0x0]  }
0x46: {  	_ =	sdelay $0x3  }
0x47: {  	s25 =	sshrl.u32 s25, $0x5;
	v0 =	vshll.u32 v0, $0x3  }
0x48: {  	v0 =	vadd.s32 s25, v0  }
0x49: {  	[tilespmem:s20+$0x0] =	vst v0  }
0x4a: {  	v0 =	vld [tilespmem:s21+$0x0];
	_ =	sdelay $0x4  }
0x4b: {  	v0 =	vshll.u32 v0, $0x3  }
0x4c: {  	v0 =	vadd.s32 s25, v0  }
0x4d: {  	[tilespmem:s21+$0x0] =	vst v0  }
0x4e: {  	v0 =	vld [tilespmem:s22+$0x0];
	_ =	sdelay $0x4  }
.Ltmp1:
0x4f: {  	v1 =	vshll.u32 v0, $0x1;
	(pc) =	sbr.rel @p0 .LBB2_4-.Ltmp1, $4  }
0x50: {  	s25 =	sshll.u32 s25, $0x11;
	v1 =	vand.u32 $0xFFFFFF00, v1  }
0x51: {  	v0 =	vand.u32 $0x7F, v0;
	v1 =	vadd.s32 s25, v1  }
0x52: {  	v0 =	vor.u32 v0, v1  }
0x53: {  	[tilespmem:s24+$0x0] =	vst v0;
	v0 =	vor.u32 $0x80, v0;
	s24 =	sadd.s32 $0x10, s24  }
0x54: {  	[tilespmem:s22+$0x0] =	vst v0  }
0x55: {  	[hbm4b:s7+s5] =	stream.linear.scatter [tilespmem:s15], [sflag:$0x2], $0x1000, $0x38;
	[tilespmem:$0x4200] =	vst v63  }
0x56: {  	_ =	swait.ge [sflag:s12], $0x1000  }
0x57: {  	[sflag:s12] =	ssyncset.done $0x0  }
0x58: {  	[sflag:s12] =	ssyncadd.s32 $0xFFFFF000  }
0x59: {  	[hbm4b:s8+s5] =	stream.linear.scatter [tilespmem:s16], [sflag:$0x2], $0x1000, $0x38;
	[tilespmem:$0x4200] =	vst v63  }
0x5a: {  	_ =	swait.ge [sflag:s12], $0x1000  }
0x5b: {  	[sflag:s12] =	ssyncset.done $0x0  }
0x5c: {  	[sflag:s12] =	ssyncadd.s32 $0xFFFFF000  }
0x5d: {  	[hbm4b:s9+s5] =	stream.linear.scatter [tilespmem:s17], [sflag:$0x2], $0x1000, $0x38;
	[tilespmem:$0x4200] =	vst v63  }
0x5e: {  	s19 =	sadd.s32 $0x1, s19;
	_ =	swait.ge [sflag:s12], $0x1000  }
0x5f: {  	p0 =	sne.s32 s19, s11;
	[sflag:s12] =	ssyncset.done $0x0  }
.Ltmp2:
0x60: {  	[sflag:s12] =	ssyncadd.s32 $0xFFFFF000;
	(pc) =	sbr.rel @p0 .LBB2_1-.Ltmp2, $4  }
0x61: {  	[hbm4b:s10+s5] =	stream.linear.scatter [tilespmem:s18], [sflag:$0x2], $0x1000, $0x38;
	[tilespmem:$0x4200] =	vst v63  }
0x62: {  	_ =	swait.ge [sflag:s12], $0x1000  }
0x63: {  	[sflag:s12] =	ssyncset.done $0x0  }
0x64: {  	[sflag:s12] =	ssyncadd.s32 $0xFFFFF000  }
0x65: {  	_ =	sfence.sel $0x180000  }
0x66: {  	[bflag:$0x0] =	sbarrier.arrive $0xFFFF  }
0x67: {  	p0 =	sne.s32 s4, $0x0;
	_ =	strace $0x90000047  }
0x68: {  	s0 =	sadd.s32 @!p0 $0x100000, s1;
	[bflag:$0x2] =	sbarrier.arrive $0xFFFF  }
0x69: {  	[sflag:s0] =	ssyncadd.tile.s32 @!p0 $0x1;
	_ =	shalt  }
.Lfunc_end2:
_tile_overlayer_lowered:
.L_overlay_start_2:
0x6a: {  	(tag) =	ssettag $0x2  }
0x6b: {  	s0 =	rddreg [dreg:$0x0];
	s2 =	stileid.u32  }
0x6c: {  	s1 =	rddreg [dreg:$0x1];
	p0 =	sne.s32 s2, $0x0  }
0x6d: {  	s3 =	rddreg [dreg:$0x2];
	[bflag:$0x3] =	sbarrier.arrive $0xFFFF;
	s2 =	simm.s32 @!p0 $0x1C02  }
0x6e: {  	[timem:s3], [sflag:s2] =	dma.local @!p0 [hbm:s0], s1  }
0x6f: {  	s0 =	simm.s32 @!p0 $0x2  }
0x70: {  	_ =	swait.ge @!p0 [sflag:s0], s1  }
0x71: {  	s1 =	ssub.s32 @!p0 $0x0, s1;
	[sflag:s0] =	ssyncset.done @!p0 $0x0  }
0x72: {  	[sflag:s0] =	ssyncadd.s32 @!p0 s1  }
0x73: {  	[bflag:$0x3] =	sbarrier.arrive $0xFFFF  }
0x74: {  	_ =	shalt  }

</sc_bundles>
